<compile_context>
chip_gen: v7x
topology: tpu7x:2x2x1
jax: 0.10.2.dev20260603
libtpu: 0.0.44.dev20260713+nightly
codegen_flags: <defaults>
</compile_context>

<pallas_src>
import functools

import jax
import jax.numpy as jnp
import numpy as np
from jax.experimental import pallas as pl

N = 48
NF = 23
NEF = 5
D = 64
HG = 64
HF = 128
HN = 128
HE = 128
BB = 16
JF = N * NEF


def _fused(x_ref, adj_ref, s_ref, st_ref, wm1, ws1, b1, wm2, ws2, b2,
           wm3, ws3, b3, wf1, bf1, wf2, bf2, wn1, bn1, wn2n, bn2n, wn2m,
           we1, be1, wbs, node_out, adj_out, mask_out):
    f32 = jnp.float32
    dot = functools.partial(jnp.dot, preferred_element_type=f32)

    a2 = adj_ref[...].reshape(BB * N, JF)
    a_fj = dot(a2, s_ref[...]).reshape(BB, N, JF)

    h2 = x_ref[...].reshape(BB * N, NF)

    def gnn(h2, wm_ref, ws_ref, b_ref):
        dh = ws_ref.shape[1]
        parts = [dot(h2, wm_ref[f]).reshape(BB, N, dh) for f in range(NEF)]
        hw = jnp.concatenate(parts, axis=1)
        msg = jax.lax.dot_general(
            a_fj, hw, (((2,), (1,)), ((0,), (0,))),
            preferred_element_type=f32)
        return jnp.maximum(
            msg.reshape(BB * N, dh) + dot(h2, ws_ref[...]) + b_ref[...], 0.0)

    h2 = gnn(h2, wm1, ws1, b1)
    h2 = gnn(h2, wm2, ws2, b2)
    h2 = gnn(h2, wm3, ws3, b3)

    h2 = jnp.maximum(dot(h2, wf1[...]) + bf1[...], 0.0)
    ne = dot(h2, wf2[...]) + bf2[...]

    hn = jnp.maximum(dot(ne, wn1[...]) + bn1[...], 0.0)
    node_out[...] = (dot(hn, wn2n[...]) + bn2n[...]).reshape(BB, N, NF)
    mask_out[...] = dot(hn, wn2m[...]).reshape(BB, N, 1)

    p = jnp.maximum(dot(ne, we1[...]) + be1[...], 0.0)
    tparts = [dot(p, wbs[f]).reshape(BB, N, HE) for f in range(NEF)]
    t_fj = jnp.concatenate(tparts, axis=1)
    out_fj = jax.lax.dot_general(
        p.reshape(BB, N, HE), t_fj, (((2,), (2,)), ((0,), (0,))),
        preferred_element_type=f32)
    adj_out[...] = dot(out_fj.reshape(BB * N, JF),
                       st_ref[...]).reshape(BB, N, JF)


def _perm_jf_to_fj():
    s = np.zeros((JF, JF), np.float32)
    for j in range(N):
        for f in range(NEF):
            s[j * NEF + f, f * N + j] = 1.0
    return s


@jax.jit
def kernel(x, adj, W_msg1, W_self1, b1, W_msg2, W_self2, b2, W_msg3, W_self3,
           b3, Wf1, bf1, Wf2, bf2, Wn1, bn1, Wn2, bn2, We1, be1, Wb):
    B = x.shape[0]
    adj_r = adj.reshape(B, N, JF)
    s = jnp.asarray(_perm_jf_to_fj())
    st = s.T
    wm1 = W_msg1.reshape(NEF, NF, HG)
    wm2 = W_msg2.reshape(NEF, HG, HG)
    wm3 = W_msg3.reshape(NEF, HG, HG)
    wbs = 0.5 * (Wb + Wb.transpose(0, 2, 1))
    row = lambda v: v.reshape(1, -1)

    grid = (B // BB,)
    blk = lambda *shape: pl.BlockSpec(shape, lambda i: (i,) + (0,) * (len(shape) - 1))
    wspec = lambda w: pl.BlockSpec(w.shape, lambda i: (0,) * w.ndim)

    weights = (s, st, wm1, W_self1, row(b1), wm2, W_self2, row(b2), wm3,
               W_self3, row(b3), Wf1, row(bf1), Wf2, row(bf2), Wn1, row(bn1),
               Wn2[:, 1:], row(bn2[1:]), Wn2[:, :1] + bn2[0] * 0, We1,
               row(be1), wbs)
    mask_bias = bn2[0]

    node_logits, adj_out, mask3 = pl.pallas_call(
        _fused,
        grid=grid,
        in_specs=[blk(BB, N, NF), blk(BB, N, JF)] +
                 [wspec(w) for w in weights],
        out_specs=[blk(BB, N, NF), blk(BB, N, JF), blk(BB, N, 1)],
        out_shape=[
            jax.ShapeDtypeStruct((B, N, NF), jnp.float32),
            jax.ShapeDtypeStruct((B, N, JF), jnp.float32),
            jax.ShapeDtypeStruct((B, N, 1), jnp.float32),
        ],
    )(x, adj_r, *weights)

    mask_logits = mask3.reshape(B, N) + mask_bias
    return node_logits, adj_out.reshape(B, N, N, NEF), mask_logits

# --- scband reference (transcript-rebuilt; emitter-appended) ---
"""Pipeline reference for scband-graph-ae-14663018348596 (READ-ONLY COPY).

The authoritative reference and input builder live on the scoring server;
editing this copy changes nothing except your own understanding.
"""

import jax, jax.numpy as jnp
import numpy as np

B = 1024; N = 48; NF = 23; NEF = 5; D = 64; HG = 64; HF = 128; HN = 128; HE = 128


def setup_inputs(seed: int = 0) -> dict:
    key = jax.random.key(seed)
    ks = jax.random.split(key, 16)
    s = 0.05
    inp = {}
    inp['x'] = jax.random.normal(ks[0], (B, N, NF), jnp.float32)
    inp['adj'] = jax.random.uniform(ks[1], (B, N, N, NEF), dtype=jnp.float32)
    inp['W_msg1'] = jax.random.normal(ks[2], (NEF * NF, HG), jnp.float32) * s
    inp['W_self1'] = jax.random.normal(ks[3], (NF, HG), jnp.float32) * s
    inp['b1'] = jnp.zeros((HG,), jnp.float32)
    inp['W_msg2'] = jax.random.normal(ks[4], (NEF * HG, HG), jnp.float32) * s
    inp['W_self2'] = jax.random.normal(ks[5], (HG, HG), jnp.float32) * s
    inp['b2'] = jnp.zeros((HG,), jnp.float32)
    inp['W_msg3'] = jax.random.normal(ks[6], (NEF * HG, HG), jnp.float32) * s
    inp['W_self3'] = jax.random.normal(ks[7], (HG, HG), jnp.float32) * s
    inp['b3'] = jnp.zeros((HG,), jnp.float32)
    inp['Wf1'] = jax.random.normal(ks[8], (HG, HF), jnp.float32) * s
    inp['bf1'] = jnp.zeros((HF,), jnp.float32)
    inp['Wf2'] = jax.random.normal(ks[9], (HF, D), jnp.float32) * s
    inp['bf2'] = jnp.zeros((D,), jnp.float32)
    inp['Wn1'] = jax.random.normal(ks[10], (D, HN), jnp.float32) * s
    inp['bn1'] = jnp.zeros((HN,), jnp.float32)
    inp['Wn2'] = jax.random.normal(ks[11], (HN, 1 + NF), jnp.float32) * s
    inp['bn2'] = jnp.zeros((1 + NF,), jnp.float32)
    inp['We1'] = jax.random.normal(ks[12], (D, HE), jnp.float32) * s
    inp['be1'] = jnp.zeros((HE,), jnp.float32)
    inp['Wb'] = jax.random.normal(ks[13], (NEF, HE, HE), jnp.float32) * s
    return inp


def _relu(v):
    return jnp.maximum(v, 0.0)


def _gnn_layer(h, adj, Wm, Ws, b):
    # relation-aware message passing over dense multi-channel adjacency
    agg = jnp.einsum('bijf,bjd->bifd', adj, h)
    agg = agg.reshape(h.shape[0], h.shape[1], -1)
    return _relu(agg @ Wm + h @ Ws + b)


def _forward(x, adj, W_msg1, W_self1, b1, W_msg2, W_self2, b2, W_msg3, W_self3, b3,
             Wf1, bf1, Wf2, bf2, Wn1, bn1, Wn2, bn2, We1, be1, Wb):
    # GraphEncoder: GNN stack + per-node FNN -> node_embs [B, N, D]
    h = _gnn_layer(x, adj, W_msg1, W_self1, b1)
    h = _gnn_layer(h, adj, W_msg2, W_self2, b2)
    h = _gnn_layer(h, adj, W_msg3, W_self3, b3)
    h = _relu(h @ Wf1 + bf1)
    node_embs = h @ Wf2 + bf2
    # NodePredictor: [B, N, 1 + num_node_features]
    node_all = _relu(node_embs @ Wn1 + bn1) @ Wn2 + bn2
    mask_logits = node_all[:, :, 0]
    node_logits = node_all[:, :, 1:]
    # EdgeDecoder: pairwise bilinear per edge feature -> [B, N, N, NEF]
    p = _relu(node_embs @ We1 + be1)
    t = jnp.einsum('bih,fhk->bifk', p, Wb)
    adj_logits = jnp.einsum('bifk,bjk->bijf', t, p)
    adj_logits = 0.5 * (adj_logits + adj_logits.transpose(0, 2, 1, 3))
    return (node_logits, adj_logits, mask_logits)


def reference(x, adj, W_msg1, W_self1, b1, W_msg2, W_self2, b2, W_msg3, W_self3, b3,
              Wf1, bf1, Wf2, bf2, Wn1, bn1, Wn2, bn2, We1, be1, Wb):
    return _forward(x, adj, W_msg1, W_self1, b1, W_msg2, W_self2, b2, W_msg3, W_self3, b3,
                    Wf1, bf1, Wf2, bf2, Wn1, bn1, Wn2, bn2, We1, be1, Wb)

if __name__ == "__main__":
    import jax
    _d = setup_inputs()
    print(jax.jit(kernel)(*tuple(_d.values())))

</pallas_src>

<mosaic_0001>
module attributes {stable_mosaic.version = 14 : i64} {
  func.func @_fused(%arg0: i32, %arg1: memref<16x48x23xf32, #tpu.memory_space<vmem>>, %arg2: memref<16x48x240xf32, #tpu.memory_space<vmem>>, %arg3: memref<240x240xf32, #tpu.memory_space<vmem>>, %arg4: memref<240x240xf32, #tpu.memory_space<vmem>>, %arg5: memref<5x23x64xf32, #tpu.memory_space<vmem>>, %arg6: memref<23x64xf32, #tpu.memory_space<vmem>>, %arg7: memref<1x64xf32, #tpu.memory_space<vmem>>, %arg8: memref<5x64x64xf32, #tpu.memory_space<vmem>>, %arg9: memref<64x64xf32, #tpu.memory_space<vmem>>, %arg10: memref<1x64xf32, #tpu.memory_space<vmem>>, %arg11: memref<5x64x64xf32, #tpu.memory_space<vmem>>, %arg12: memref<64x64xf32, #tpu.memory_space<vmem>>, %arg13: memref<1x64xf32, #tpu.memory_space<vmem>>, %arg14: memref<64x128xf32, #tpu.memory_space<vmem>>, %arg15: memref<1x128xf32, #tpu.memory_space<vmem>>, %arg16: memref<128x64xf32, #tpu.memory_space<vmem>>, %arg17: memref<1x64xf32, #tpu.memory_space<vmem>>, %arg18: memref<64x128xf32, #tpu.memory_space<vmem>>, %arg19: memref<1x128xf32, #tpu.memory_space<vmem>>, %arg20: memref<128x23xf32, #tpu.memory_space<vmem>>, %arg21: memref<1x23xf32, #tpu.memory_space<vmem>>, %arg22: memref<128x1xf32, #tpu.memory_space<vmem>>, %arg23: memref<64x128xf32, #tpu.memory_space<vmem>>, %arg24: memref<1x128xf32, #tpu.memory_space<vmem>>, %arg25: memref<5x128x128xf32, #tpu.memory_space<vmem>>, %arg26: memref<16x48x23xf32, #tpu.memory_space<vmem>>, %arg27: memref<16x48x240xf32, #tpu.memory_space<vmem>>, %arg28: memref<16x48x1xf32, #tpu.memory_space<vmem>>) attributes {dimension_semantics = [#tpu.dimension_semantics<arbitrary>], iteration_bounds = array<i64: 64>, scalar_prefetch = 0 : i64, scratch_operands = 0 : i64, tpu.core_type = #tpu.core_type<tc>, window_params = [{transform_indices = @transform_0, window_bounds = array<i64: 16, 48, 23>}, {transform_indices = @transform_1, window_bounds = array<i64: 16, 48, 240>}, {pipeline_mode = #tpu.pipeline_mode<synchronous>, transform_indices = @transform_2, window_bounds = array<i64: 240, 240>}, {pipeline_mode = #tpu.pipeline_mode<synchronous>, transform_indices = @transform_3, window_bounds = array<i64: 240, 240>}, {pipeline_mode = #tpu.pipeline_mode<synchronous>, transform_indices = @transform_4, window_bounds = array<i64: 5, 23, 64>}, {pipeline_mode = #tpu.pipeline_mode<synchronous>, transform_indices = @transform_5, window_bounds = array<i64: 23, 64>}, {pipeline_mode = #tpu.pipeline_mode<synchronous>, transform_indices = @transform_6, window_bounds = array<i64: 1, 64>}, {pipeline_mode = #tpu.pipeline_mode<synchronous>, transform_indices = @transform_7, window_bounds = array<i64: 5, 64, 64>}, {pipeline_mode = #tpu.pipeline_mode<synchronous>, transform_indices = @transform_8, window_bounds = array<i64: 64, 64>}, {pipeline_mode = #tpu.pipeline_mode<synchronous>, transform_indices = @transform_9, window_bounds = array<i64: 1, 64>}, {pipeline_mode = #tpu.pipeline_mode<synchronous>, transform_indices = @transform_10, window_bounds = array<i64: 5, 64, 64>}, {pipeline_mode = #tpu.pipeline_mode<synchronous>, transform_indices = @transform_11, window_bounds = array<i64: 64, 64>}, {pipeline_mode = #tpu.pipeline_mode<synchronous>, transform_indices = @transform_12, window_bounds = array<i64: 1, 64>}, {pipeline_mode = #tpu.pipeline_mode<synchronous>, transform_indices = @transform_13, window_bounds = array<i64: 64, 128>}, {pipeline_mode = #tpu.pipeline_mode<synchronous>, transform_indices = @transform_14, window_bounds = array<i64: 1, 128>}, {pipeline_mode = #tpu.pipeline_mode<synchronous>, transform_indices = @transform_15, window_bounds = array<i64: 128, 64>}, {pipeline_mode = #tpu.pipeline_mode<synchronous>, transform_indices = @transform_16, window_bounds = array<i64: 1, 64>}, {pipeline_mode = #tpu.pipeline_mode<synchronous>, transform_indices = @transform_17, window_bounds = array<i64: 64, 128>}, {pipeline_mode = #tpu.pipeline_mode<synchronous>, transform_indices = @transform_18, window_bounds = array<i64: 1, 128>}, {pipeline_mode = #tpu.pipeline_mode<synchronous>, transform_indices = @transform_19, window_bounds = array<i64: 128, 23>}, {pipeline_mode = #tpu.pipeline_mode<synchronous>, transform_indices = @transform_20, window_bounds = array<i64: 1, 23>}, {pipeline_mode = #tpu.pipeline_mode<synchronous>, transform_indices = @transform_21, window_bounds = array<i64: 128, 1>}, {pipeline_mode = #tpu.pipeline_mode<synchronous>, transform_indices = @transform_22, window_bounds = array<i64: 64, 128>}, {pipeline_mode = #tpu.pipeline_mode<synchronous>, transform_indices = @transform_23, window_bounds = array<i64: 1, 128>}, {pipeline_mode = #tpu.pipeline_mode<synchronous>, transform_indices = @transform_24, window_bounds = array<i64: 5, 128, 128>}, {transform_indices = @transform_25, window_bounds = array<i64: 16, 48, 23>}, {transform_indices = @transform_26, window_bounds = array<i64: 16, 48, 240>}, {transform_indices = @transform_27, window_bounds = array<i64: 16, 48, 1>}]} {
    %get3A = arith.constant 0 : index
    %get3A_0 = arith.constant 0 : index
    %get3A_1 = arith.constant 0 : index
    %get3A_2 = vector.load %arg2[%get3A, %get3A_0, %get3A_1] : memref<16x48x240xf32, #tpu.memory_space<vmem>>, vector<16x48x240xf32>
    %reshape3A = vector.shape_cast %get3A_2 : vector<16x48x240xf32> to vector<768x240xf32>
    %get3A_3 = arith.constant 0 : index
    %get3A_4 = arith.constant 0 : index
    %get3A_5 = vector.load %arg3[%get3A_3, %get3A_4] : memref<240x240xf32, #tpu.memory_space<vmem>>, vector<240x240xf32>
    %dot_general3A = arith.constant dense<0.000000e+00> : vector<768x240xf32>
    %dot_general3A_6 = tpu.matmul %reshape3A, %get3A_5, %dot_general3A {dimension_numbers = #tpu.dot_dimension_numbers<[1], [0], [0], [1], [0, 0, 1, 1], [], []>, transpose_lhs_hint = false} : vector<768x240xf32>, vector<240x240xf32>, vector<768x240xf32> -> vector<768x240xf32>
    %reshape3A_7 = vector.shape_cast %dot_general3A_6 : vector<768x240xf32> to vector<16x48x240xf32>
    %get3A_8 = arith.constant 0 : index
    %get3A_9 = arith.constant 0 : index
    %get3A_10 = arith.constant 0 : index
    %get3A_11 = vector.load %arg1[%get3A_8, %get3A_9, %get3A_10] : memref<16x48x23xf32, #tpu.memory_space<vmem>>, vector<16x48x23xf32>
    %reshape3A_12 = vector.shape_cast %get3A_11 : vector<16x48x23xf32> to vector<768x23xf32>
    %get3A_13 = arith.constant 0 : index
    %get3A_14 = arith.constant 0 : index
    %get3A_15 = arith.constant 0 : index
    %get3A_16 = vector.load %arg5[%get3A_13, %get3A_14, %get3A_15] : memref<5x23x64xf32, #tpu.memory_space<vmem>>, vector<1x23x64xf32>
    %get3A_17 = vector.shape_cast %get3A_16 : vector<1x23x64xf32> to vector<23x64xf32>
    %dot_general3A_18 = arith.constant dense<0.000000e+00> : vector<768x64xf32>
    %dot_general3A_19 = tpu.matmul %reshape3A_12, %get3A_17, %dot_general3A_18 {dimension_numbers = #tpu.dot_dimension_numbers<[1], [0], [0], [1], [0, 0, 1, 1], [], []>, transpose_lhs_hint = false} : vector<768x23xf32>, vector<23x64xf32>, vector<768x64xf32> -> vector<768x64xf32>
    %reshape3A_20 = vector.shape_cast %dot_general3A_19 : vector<768x64xf32> to vector<16x48x64xf32>
    %get3A_21 = arith.constant 1 : index
    %get3A_22 = arith.constant 0 : index
    %get3A_23 = arith.constant 0 : index
    %get3A_24 = vector.load %arg5[%get3A_21, %get3A_22, %get3A_23] : memref<5x23x64xf32, #tpu.memory_space<vmem>>, vector<1x23x64xf32>
    %get3A_25 = vector.shape_cast %get3A_24 : vector<1x23x64xf32> to vector<23x64xf32>
    %dot_general3A_26 = arith.constant dense<0.000000e+00> : vector<768x64xf32>
    %dot_general3A_27 = tpu.matmul %reshape3A_12, %get3A_25, %dot_general3A_26 {dimension_numbers = #tpu.dot_dimension_numbers<[1], [0], [0], [1], [0, 0, 1, 1], [], []>, transpose_lhs_hint = false} : vector<768x23xf32>, vector<23x64xf32>, vector<768x64xf32> -> vector<768x64xf32>
    %reshape3A_28 = vector.shape_cast %dot_general3A_27 : vector<768x64xf32> to vector<16x48x64xf32>
    %get3A_29 = arith.constant 2 : index
    %get3A_30 = arith.constant 0 : index
    %get3A_31 = arith.constant 0 : index
    %get3A_32 = vector.load %arg5[%get3A_29, %get3A_30, %get3A_31] : memref<5x23x64xf32, #tpu.memory_space<vmem>>, vector<1x23x64xf32>
    %get3A_33 = vector.shape_cast %get3A_32 : vector<1x23x64xf32> to vector<23x64xf32>
    %dot_general3A_34 = arith.constant dense<0.000000e+00> : vector<768x64xf32>
    %dot_general3A_35 = tpu.matmul %reshape3A_12, %get3A_33, %dot_general3A_34 {dimension_numbers = #tpu.dot_dimension_numbers<[1], [0], [0], [1], [0, 0, 1, 1], [], []>, transpose_lhs_hint = false} : vector<768x23xf32>, vector<23x64xf32>, vector<768x64xf32> -> vector<768x64xf32>
    %reshape3A_36 = vector.shape_cast %dot_general3A_35 : vector<768x64xf32> to vector<16x48x64xf32>
    %get3A_37 = arith.constant 3 : index
    %get3A_38 = arith.constant 0 : index
    %get3A_39 = arith.constant 0 : index
    %get3A_40 = vector.load %arg5[%get3A_37, %get3A_38, %get3A_39] : memref<5x23x64xf32, #tpu.memory_space<vmem>>, vector<1x23x64xf32>
    %get3A_41 = vector.shape_cast %get3A_40 : vector<1x23x64xf32> to vector<23x64xf32>
    %dot_general3A_42 = arith.constant dense<0.000000e+00> : vector<768x64xf32>
    %dot_general3A_43 = tpu.matmul %reshape3A_12, %get3A_41, %dot_general3A_42 {dimension_numbers = #tpu.dot_dimension_numbers<[1], [0], [0], [1], [0, 0, 1, 1], [], []>, transpose_lhs_hint = false} : vector<768x23xf32>, vector<23x64xf32>, vector<768x64xf32> -> vector<768x64xf32>
    %reshape3A_44 = vector.shape_cast %dot_general3A_43 : vector<768x64xf32> to vector<16x48x64xf32>
    %get3A_45 = arith.constant 4 : index
    %get3A_46 = arith.constant 0 : index
    %get3A_47 = arith.constant 0 : index
    %get3A_48 = vector.load %arg5[%get3A_45, %get3A_46, %get3A_47] : memref<5x23x64xf32, #tpu.memory_space<vmem>>, vector<1x23x64xf32>
    %get3A_49 = vector.shape_cast %get3A_48 : vector<1x23x64xf32> to vector<23x64xf32>
    %dot_general3A_50 = arith.constant dense<0.000000e+00> : vector<768x64xf32>
    %dot_general3A_51 = tpu.matmul %reshape3A_12, %get3A_49, %dot_general3A_50 {dimension_numbers = #tpu.dot_dimension_numbers<[1], [0], [0], [1], [0, 0, 1, 1], [], []>, transpose_lhs_hint = false} : vector<768x23xf32>, vector<23x64xf32>, vector<768x64xf32> -> vector<768x64xf32>
    %reshape3A_52 = vector.shape_cast %dot_general3A_51 : vector<768x64xf32> to vector<16x48x64xf32>
    %concatenate3A = tpu.concatenate %reshape3A_20, %reshape3A_28, %reshape3A_36, %reshape3A_44, %reshape3A_52 in 1 : vector<16x48x64xf32>, vector<16x48x64xf32>, vector<16x48x64xf32>, vector<16x48x64xf32>, vector<16x48x64xf32> -> vector<16x240x64xf32>
    %dot_general3A_53 = arith.constant dense<0.000000e+00> : vector<16x48x64xf32>
    %dot_general3A_54 = tpu.matmul %reshape3A_7, %concatenate3A, %dot_general3A_53 {dimension_numbers = #tpu.dot_dimension_numbers<[2], [1], [1], [2], [0, 0, 0, 1, 1, 2], [0], [0]>, transpose_lhs_hint = false} : vector<16x48x240xf32>, vector<16x240x64xf32>, vector<16x48x64xf32> -> vector<16x48x64xf32>
    %reshape3A_55 = vector.shape_cast %dot_general3A_54 : vector<16x48x64xf32> to vector<768x64xf32>
    %get3A_56 = arith.constant 0 : index
    %get3A_57 = arith.constant 0 : index
    %get3A_58 = vector.load %arg6[%get3A_56, %get3A_57] : memref<23x64xf32, #tpu.memory_space<vmem>>, vector<23x64xf32>
    %dot_general3A_59 = arith.constant dense<0.000000e+00> : vector<768x64xf32>
    %dot_general3A_60 = tpu.matmul %reshape3A_12, %get3A_58, %dot_general3A_59 {dimension_numbers = #tpu.dot_dimension_numbers<[1], [0], [0], [1], [0, 0, 1, 1], [], []>, transpose_lhs_hint = false} : vector<768x23xf32>, vector<23x64xf32>, vector<768x64xf32> -> vector<768x64xf32>
    %add3A = arith.addf %reshape3A_55, %dot_general3A_60 : vector<768x64xf32>
    %get3A_61 = arith.constant 0 : index
    %get3A_62 = arith.constant 0 : index
    %get3A_63 = vector.load %arg7[%get3A_61, %get3A_62] : memref<1x64xf32, #tpu.memory_space<vmem>>, vector<1x64xf32>
    %add3A_64 = vector.broadcast %get3A_63 : vector<1x64xf32> to vector<768x64xf32>
    %add3A_65 = arith.addf %add3A, %add3A_64 : vector<768x64xf32>
    %max3A = arith.constant 0.000000e+00 : f32
    %max3A_66 = vector.broadcast %max3A : f32 to vector<768x64xf32>
    %max3A_67 = arith.maximumf %add3A_65, %max3A_66 : vector<768x64xf32>
    %get3A_68 = arith.constant 0 : index
    %get3A_69 = arith.constant 0 : index
    %get3A_70 = arith.constant 0 : index
    %get3A_71 = vector.load %arg8[%get3A_68, %get3A_69, %get3A_70] : memref<5x64x64xf32, #tpu.memory_space<vmem>>, vector<1x64x64xf32>
    %get3A_72 = vector.shape_cast %get3A_71 : vector<1x64x64xf32> to vector<64x64xf32>
    %dot_general3A_73 = arith.constant dense<0.000000e+00> : vector<768x64xf32>
    %dot_general3A_74 = tpu.matmul %max3A_67, %get3A_72, %dot_general3A_73 {dimension_numbers = #tpu.dot_dimension_numbers<[1], [0], [0], [1], [0, 0, 1, 1], [], []>, transpose_lhs_hint = false} : vector<768x64xf32>, vector<64x64xf32>, vector<768x64xf32> -> vector<768x64xf32>
    %reshape3A_75 = vector.shape_cast %dot_general3A_74 : vector<768x64xf32> to vector<16x48x64xf32>
    %get3A_76 = arith.constant 1 : index
    %get3A_77 = arith.constant 0 : index
    %get3A_78 = arith.constant 0 : index
    %get3A_79 = vector.load %arg8[%get3A_76, %get3A_77, %get3A_78] : memref<5x64x64xf32, #tpu.memory_space<vmem>>, vector<1x64x64xf32>
    %get3A_80 = vector.shape_cast %get3A_79 : vector<1x64x64xf32> to vector<64x64xf32>
    %dot_general3A_81 = arith.constant dense<0.000000e+00> : vector<768x64xf32>
    %dot_general3A_82 = tpu.matmul %max3A_67, %get3A_80, %dot_general3A_81 {dimension_numbers = #tpu.dot_dimension_numbers<[1], [0], [0], [1], [0, 0, 1, 1], [], []>, transpose_lhs_hint = false} : vector<768x64xf32>, vector<64x64xf32>, vector<768x64xf32> -> vector<768x64xf32>
    %reshape3A_83 = vector.shape_cast %dot_general3A_82 : vector<768x64xf32> to vector<16x48x64xf32>
    %get3A_84 = arith.constant 2 : index
    %get3A_85 = arith.constant 0 : index
    %get3A_86 = arith.constant 0 : index
    %get3A_87 = vector.load %arg8[%get3A_84, %get3A_85, %get3A_86] : memref<5x64x64xf32, #tpu.memory_space<vmem>>, vector<1x64x64xf32>
    %get3A_88 = vector.shape_cast %get3A_87 : vector<1x64x64xf32> to vector<64x64xf32>
    %dot_general3A_89 = arith.constant dense<0.000000e+00> : vector<768x64xf32>
    %dot_general3A_90 = tpu.matmul %max3A_67, %get3A_88, %dot_general3A_89 {dimension_numbers = #tpu.dot_dimension_numbers<[1], [0], [0], [1], [0, 0, 1, 1], [], []>, transpose_lhs_hint = false} : vector<768x64xf32>, vector<64x64xf32>, vector<768x64xf32> -> vector<768x64xf32>
    %reshape3A_91 = vector.shape_cast %dot_general3A_90 : vector<768x64xf32> to vector<16x48x64xf32>
    %get3A_92 = arith.constant 3 : index
    %get3A_93 = arith.constant 0 : index
    %get3A_94 = arith.constant 0 : index
    %get3A_95 = vector.load %arg8[%get3A_92, %get3A_93, %get3A_94] : memref<5x64x64xf32, #tpu.memory_space<vmem>>, vector<1x64x64xf32>
    %get3A_96 = vector.shape_cast %get3A_95 : vector<1x64x64xf32> to vector<64x64xf32>
    %dot_general3A_97 = arith.constant dense<0.000000e+00> : vector<768x64xf32>
    %dot_general3A_98 = tpu.matmul %max3A_67, %get3A_96, %dot_general3A_97 {dimension_numbers = #tpu.dot_dimension_numbers<[1], [0], [0], [1], [0, 0, 1, 1], [], []>, transpose_lhs_hint = false} : vector<768x64xf32>, vector<64x64xf32>, vector<768x64xf32> -> vector<768x64xf32>
    %reshape3A_99 = vector.shape_cast %dot_general3A_98 : vector<768x64xf32> to vector<16x48x64xf32>
    %get3A_100 = arith.constant 4 : index
    %get3A_101 = arith.constant 0 : index
    %get3A_102 = arith.constant 0 : index
    %get3A_103 = vector.load %arg8[%get3A_100, %get3A_101, %get3A_102] : memref<5x64x64xf32, #tpu.memory_space<vmem>>, vector<1x64x64xf32>
    %get3A_104 = vector.shape_cast %get3A_103 : vector<1x64x64xf32> to vector<64x64xf32>
    %dot_general3A_105 = arith.constant dense<0.000000e+00> : vector<768x64xf32>
    %dot_general3A_106 = tpu.matmul %max3A_67, %get3A_104, %dot_general3A_105 {dimension_numbers = #tpu.dot_dimension_numbers<[1], [0], [0], [1], [0, 0, 1, 1], [], []>, transpose_lhs_hint = false} : vector<768x64xf32>, vector<64x64xf32>, vector<768x64xf32> -> vector<768x64xf32>
    %reshape3A_107 = vector.shape_cast %dot_general3A_106 : vector<768x64xf32> to vector<16x48x64xf32>
    %concatenate3A_108 = tpu.concatenate %reshape3A_75, %reshape3A_83, %reshape3A_91, %reshape3A_99, %reshape3A_107 in 1 : vector<16x48x64xf32>, vector<16x48x64xf32>, vector<16x48x64xf32>, vector<16x48x64xf32>, vector<16x48x64xf32> -> vector<16x240x64xf32>
    %dot_general3A_109 = arith.constant dense<0.000000e+00> : vector<16x48x64xf32>
    %dot_general3A_110 = tpu.matmul %reshape3A_7, %concatenate3A_108, %dot_general3A_109 {dimension_numbers = #tpu.dot_dimension_numbers<[2], [1], [1], [2], [0, 0, 0, 1, 1, 2], [0], [0]>, transpose_lhs_hint = false} : vector<16x48x240xf32>, vector<16x240x64xf32>, vector<16x48x64xf32> -> vector<16x48x64xf32>
    %reshape3A_111 = vector.shape_cast %dot_general3A_110 : vector<16x48x64xf32> to vector<768x64xf32>
    %get3A_112 = arith.constant 0 : index
    %get3A_113 = arith.constant 0 : index
    %get3A_114 = vector.load %arg9[%get3A_112, %get3A_113] : memref<64x64xf32, #tpu.memory_space<vmem>>, vector<64x64xf32>
    %dot_general3A_115 = arith.constant dense<0.000000e+00> : vector<768x64xf32>
    %dot_general3A_116 = tpu.matmul %max3A_67, %get3A_114, %dot_general3A_115 {dimension_numbers = #tpu.dot_dimension_numbers<[1], [0], [0], [1], [0, 0, 1, 1], [], []>, transpose_lhs_hint = false} : vector<768x64xf32>, vector<64x64xf32>, vector<768x64xf32> -> vector<768x64xf32>
    %add3A_117 = arith.addf %reshape3A_111, %dot_general3A_116 : vector<768x64xf32>
    %get3A_118 = arith.constant 0 : index
    %get3A_119 = arith.constant 0 : index
    %get3A_120 = vector.load %arg10[%get3A_118, %get3A_119] : memref<1x64xf32, #tpu.memory_space<vmem>>, vector<1x64xf32>
    %add3A_121 = vector.broadcast %get3A_120 : vector<1x64xf32> to vector<768x64xf32>
    %add3A_122 = arith.addf %add3A_117, %add3A_121 : vector<768x64xf32>
    %max3A_123 = arith.constant 0.000000e+00 : f32
    %max3A_124 = vector.broadcast %max3A_123 : f32 to vector<768x64xf32>
    %max3A_125 = arith.maximumf %add3A_122, %max3A_124 : vector<768x64xf32>
    %get3A_126 = arith.constant 0 : index
    %get3A_127 = arith.constant 0 : index
    %get3A_128 = arith.constant 0 : index
    %get3A_129 = vector.load %arg11[%get3A_126, %get3A_127, %get3A_128] : memref<5x64x64xf32, #tpu.memory_space<vmem>>, vector<1x64x64xf32>
    %get3A_130 = vector.shape_cast %get3A_129 : vector<1x64x64xf32> to vector<64x64xf32>
    %dot_general3A_131 = arith.constant dense<0.000000e+00> : vector<768x64xf32>
    %dot_general3A_132 = tpu.matmul %max3A_125, %get3A_130, %dot_general3A_131 {dimension_numbers = #tpu.dot_dimension_numbers<[1], [0], [0], [1], [0, 0, 1, 1], [], []>, transpose_lhs_hint = false} : vector<768x64xf32>, vector<64x64xf32>, vector<768x64xf32> -> vector<768x64xf32>
    %reshape3A_133 = vector.shape_cast %dot_general3A_132 : vector<768x64xf32> to vector<16x48x64xf32>
    %get3A_134 = arith.constant 1 : index
    %get3A_135 = arith.constant 0 : index
    %get3A_136 = arith.constant 0 : index
    %get3A_137 = vector.load %arg11[%get3A_134, %get3A_135, %get3A_136] : memref<5x64x64xf32, #tpu.memory_space<vmem>>, vector<1x64x64xf32>
    %get3A_138 = vector.shape_cast %get3A_137 : vector<1x64x64xf32> to vector<64x64xf32>
    %dot_general3A_139 = arith.constant dense<0.000000e+00> : vector<768x64xf32>
    %dot_general3A_140 = tpu.matmul %max3A_125, %get3A_138, %dot_general3A_139 {dimension_numbers = #tpu.dot_dimension_numbers<[1], [0], [0], [1], [0, 0, 1, 1], [], []>, transpose_lhs_hint = false} : vector<768x64xf32>, vector<64x64xf32>, vector<768x64xf32> -> vector<768x64xf32>
    %reshape3A_141 = vector.shape_cast %dot_general3A_140 : vector<768x64xf32> to vector<16x48x64xf32>
    %get3A_142 = arith.constant 2 : index
    %get3A_143 = arith.constant 0 : index
    %get3A_144 = arith.constant 0 : index
    %get3A_145 = vector.load %arg11[%get3A_142, %get3A_143, %get3A_144] : memref<5x64x64xf32, #tpu.memory_space<vmem>>, vector<1x64x64xf32>
    %get3A_146 = vector.shape_cast %get3A_145 : vector<1x64x64xf32> to vector<64x64xf32>
    %dot_general3A_147 = arith.constant dense<0.000000e+00> : vector<768x64xf32>
    %dot_general3A_148 = tpu.matmul %max3A_125, %get3A_146, %dot_general3A_147 {dimension_numbers = #tpu.dot_dimension_numbers<[1], [0], [0], [1], [0, 0, 1, 1], [], []>, transpose_lhs_hint = false} : vector<768x64xf32>, vector<64x64xf32>, vector<768x64xf32> -> vector<768x64xf32>
    %reshape3A_149 = vector.shape_cast %dot_general3A_148 : vector<768x64xf32> to vector<16x48x64xf32>
    %get3A_150 = arith.constant 3 : index
    %get3A_151 = arith.constant 0 : index
    %get3A_152 = arith.constant 0 : index
    %get3A_153 = vector.load %arg11[%get3A_150, %get3A_151, %get3A_152] : memref<5x64x64xf32, #tpu.memory_space<vmem>>, vector<1x64x64xf32>
    %get3A_154 = vector.shape_cast %get3A_153 : vector<1x64x64xf32> to vector<64x64xf32>
    %dot_general3A_155 = arith.constant dense<0.000000e+00> : vector<768x64xf32>
    %dot_general3A_156 = tpu.matmul %max3A_125, %get3A_154, %dot_general3A_155 {dimension_numbers = #tpu.dot_dimension_numbers<[1], [0], [0], [1], [0, 0, 1, 1], [], []>, transpose_lhs_hint = false} : vector<768x64xf32>, vector<64x64xf32>, vector<768x64xf32> -> vector<768x64xf32>
    %reshape3A_157 = vector.shape_cast %dot_general3A_156 : vector<768x64xf32> to vector<16x48x64xf32>
    %get3A_158 = arith.constant 4 : index
    %get3A_159 = arith.constant 0 : index
    %get3A_160 = arith.constant 0 : index
    %get3A_161 = vector.load %arg11[%get3A_158, %get3A_159, %get3A_160] : memref<5x64x64xf32, #tpu.memory_space<vmem>>, vector<1x64x64xf32>
    %get3A_162 = vector.shape_cast %get3A_161 : vector<1x64x64xf32> to vector<64x64xf32>
    %dot_general3A_163 = arith.constant dense<0.000000e+00> : vector<768x64xf32>
    %dot_general3A_164 = tpu.matmul %max3A_125, %get3A_162, %dot_general3A_163 {dimension_numbers = #tpu.dot_dimension_numbers<[1], [0], [0], [1], [0, 0, 1, 1], [], []>, transpose_lhs_hint = false} : vector<768x64xf32>, vector<64x64xf32>, vector<768x64xf32> -> vector<768x64xf32>
    %reshape3A_165 = vector.shape_cast %dot_general3A_164 : vector<768x64xf32> to vector<16x48x64xf32>
    %concatenate3A_166 = tpu.concatenate %reshape3A_133, %reshape3A_141, %reshape3A_149, %reshape3A_157, %reshape3A_165 in 1 : vector<16x48x64xf32>, vector<16x48x64xf32>, vector<16x48x64xf32>, vector<16x48x64xf32>, vector<16x48x64xf32> -> vector<16x240x64xf32>
    %dot_general3A_167 = arith.constant dense<0.000000e+00> : vector<16x48x64xf32>
    %dot_general3A_168 = tpu.matmul %reshape3A_7, %concatenate3A_166, %dot_general3A_167 {dimension_numbers = #tpu.dot_dimension_numbers<[2], [1], [1], [2], [0, 0, 0, 1, 1, 2], [0], [0]>, transpose_lhs_hint = false} : vector<16x48x240xf32>, vector<16x240x64xf32>, vector<16x48x64xf32> -> vector<16x48x64xf32>
    %reshape3A_169 = vector.shape_cast %dot_general3A_168 : vector<16x48x64xf32> to vector<768x64xf32>
    %get3A_170 = arith.constant 0 : index
    %get3A_171 = arith.constant 0 : index
    %get3A_172 = vector.load %arg12[%get3A_170, %get3A_171] : memref<64x64xf32, #tpu.memory_space<vmem>>, vector<64x64xf32>
    %dot_general3A_173 = arith.constant dense<0.000000e+00> : vector<768x64xf32>
    %dot_general3A_174 = tpu.matmul %max3A_125, %get3A_172, %dot_general3A_173 {dimension_numbers = #tpu.dot_dimension_numbers<[1], [0], [0], [1], [0, 0, 1, 1], [], []>, transpose_lhs_hint = false} : vector<768x64xf32>, vector<64x64xf32>, vector<768x64xf32> -> vector<768x64xf32>
    %add3A_175 = arith.addf %reshape3A_169, %dot_general3A_174 : vector<768x64xf32>
    %get3A_176 = arith.constant 0 : index
    %get3A_177 = arith.constant 0 : index
    %get3A_178 = vector.load %arg13[%get3A_176, %get3A_177] : memref<1x64xf32, #tpu.memory_space<vmem>>, vector<1x64xf32>
    %add3A_179 = vector.broadcast %get3A_178 : vector<1x64xf32> to vector<768x64xf32>
    %add3A_180 = arith.addf %add3A_175, %add3A_179 : vector<768x64xf32>
    %max3A_181 = arith.constant 0.000000e+00 : f32
    %max3A_182 = vector.broadcast %max3A_181 : f32 to vector<768x64xf32>
    %max3A_183 = arith.maximumf %add3A_180, %max3A_182 : vector<768x64xf32>
    %get3A_184 = arith.constant 0 : index
    %get3A_185 = arith.constant 0 : index
    %get3A_186 = vector.load %arg14[%get3A_184, %get3A_185] : memref<64x128xf32, #tpu.memory_space<vmem>>, vector<64x128xf32>
    %dot_general3A_187 = arith.constant dense<0.000000e+00> : vector<768x128xf32>
    %dot_general3A_188 = tpu.matmul %max3A_183, %get3A_186, %dot_general3A_187 {dimension_numbers = #tpu.dot_dimension_numbers<[1], [0], [0], [1], [0, 0, 1, 1], [], []>, transpose_lhs_hint = false} : vector<768x64xf32>, vector<64x128xf32>, vector<768x128xf32> -> vector<768x128xf32>
    %get3A_189 = arith.constant 0 : index
    %get3A_190 = arith.constant 0 : index
    %get3A_191 = vector.load %arg15[%get3A_189, %get3A_190] : memref<1x128xf32, #tpu.memory_space<vmem>>, vector<1x128xf32>
    %add3A_192 = vector.broadcast %get3A_191 : vector<1x128xf32> to vector<768x128xf32>
    %add3A_193 = arith.addf %dot_general3A_188, %add3A_192 : vector<768x128xf32>
    %max3A_194 = arith.constant 0.000000e+00 : f32
    %max3A_195 = vector.broadcast %max3A_194 : f32 to vector<768x128xf32>
    %max3A_196 = arith.maximumf %add3A_193, %max3A_195 : vector<768x128xf32>
    %get3A_197 = arith.constant 0 : index
    %get3A_198 = arith.constant 0 : index
    %get3A_199 = vector.load %arg16[%get3A_197, %get3A_198] : memref<128x64xf32, #tpu.memory_space<vmem>>, vector<128x64xf32>
    %dot_general3A_200 = arith.constant dense<0.000000e+00> : vector<768x64xf32>
    %dot_general3A_201 = tpu.matmul %max3A_196, %get3A_199, %dot_general3A_200 {dimension_numbers = #tpu.dot_dimension_numbers<[1], [0], [0], [1], [0, 0, 1, 1], [], []>, transpose_lhs_hint = false} : vector<768x128xf32>, vector<128x64xf32>, vector<768x64xf32> -> vector<768x64xf32>
    %get3A_202 = arith.constant 0 : index
    %get3A_203 = arith.constant 0 : index
    %get3A_204 = vector.load %arg17[%get3A_202, %get3A_203] : memref<1x64xf32, #tpu.memory_space<vmem>>, vector<1x64xf32>
    %add3A_205 = vector.broadcast %get3A_204 : vector<1x64xf32> to vector<768x64xf32>
    %add3A_206 = arith.addf %dot_general3A_201, %add3A_205 : vector<768x64xf32>
    %get3A_207 = arith.constant 0 : index
    %get3A_208 = arith.constant 0 : index
    %get3A_209 = vector.load %arg18[%get3A_207, %get3A_208] : memref<64x128xf32, #tpu.memory_space<vmem>>, vector<64x128xf32>
    %dot_general3A_210 = arith.constant dense<0.000000e+00> : vector<768x128xf32>
    %dot_general3A_211 = tpu.matmul %add3A_206, %get3A_209, %dot_general3A_210 {dimension_numbers = #tpu.dot_dimension_numbers<[1], [0], [0], [1], [0, 0, 1, 1], [], []>, transpose_lhs_hint = false} : vector<768x64xf32>, vector<64x128xf32>, vector<768x128xf32> -> vector<768x128xf32>
    %get3A_212 = arith.constant 0 : index
    %get3A_213 = arith.constant 0 : index
    %get3A_214 = vector.load %arg19[%get3A_212, %get3A_213] : memref<1x128xf32, #tpu.memory_space<vmem>>, vector<1x128xf32>
    %add3A_215 = vector.broadcast %get3A_214 : vector<1x128xf32> to vector<768x128xf32>
    %add3A_216 = arith.addf %dot_general3A_211, %add3A_215 : vector<768x128xf32>
    %max3A_217 = arith.constant 0.000000e+00 : f32
    %max3A_218 = vector.broadcast %max3A_217 : f32 to vector<768x128xf32>
    %max3A_219 = arith.maximumf %add3A_216, %max3A_218 : vector<768x128xf32>
    %get3A_220 = arith.constant 0 : index
    %get3A_221 = arith.constant 0 : index
    %get3A_222 = vector.load %arg20[%get3A_220, %get3A_221] : memref<128x23xf32, #tpu.memory_space<vmem>>, vector<128x23xf32>
    %dot_general3A_223 = arith.constant dense<0.000000e+00> : vector<768x23xf32>
    %dot_general3A_224 = tpu.matmul %max3A_219, %get3A_222, %dot_general3A_223 {dimension_numbers = #tpu.dot_dimension_numbers<[1], [0], [0], [1], [0, 0, 1, 1], [], []>, transpose_lhs_hint = false} : vector<768x128xf32>, vector<128x23xf32>, vector<768x23xf32> -> vector<768x23xf32>
    %get3A_225 = arith.constant 0 : index
    %get3A_226 = arith.constant 0 : index
    %get3A_227 = vector.load %arg21[%get3A_225, %get3A_226] : memref<1x23xf32, #tpu.memory_space<vmem>>, vector<1x23xf32>
    %add3A_228 = vector.broadcast %get3A_227 : vector<1x23xf32> to vector<768x23xf32>
    %add3A_229 = arith.addf %dot_general3A_224, %add3A_228 : vector<768x23xf32>
    %reshape3A_230 = vector.shape_cast %add3A_229 : vector<768x23xf32> to vector<16x48x23xf32>
    %swap3A = arith.constant 0 : index
    %swap3A_231 = arith.constant 0 : index
    %swap3A_232 = arith.constant 0 : index
    %swap3A_233 = vector.load %arg26[%swap3A, %swap3A_231, %swap3A_232] : memref<16x48x23xf32, #tpu.memory_space<vmem>>, vector<16x48x23xf32>
    tpu.vector_store %arg26[%swap3A, %swap3A_231, %swap3A_232], %reshape3A_230 {strides = array<i32>} : memref<16x48x23xf32, #tpu.memory_space<vmem>>, vector<16x48x23xf32>,
    %get3A_234 = arith.constant 0 : index
    %get3A_235 = arith.constant 0 : index
    %get3A_236 = vector.load %arg22[%get3A_234, %get3A_235] : memref<128x1xf32, #tpu.memory_space<vmem>>, vector<128x1xf32>
    %dot_general3A_237 = arith.constant dense<0.000000e+00> : vector<768x1xf32>
    %dot_general3A_238 = tpu.matmul %max3A_219, %get3A_236, %dot_general3A_237 {dimension_numbers = #tpu.dot_dimension_numbers<[1], [0], [0], [1], [0, 0, 1, 1], [], []>, transpose_lhs_hint = false} : vector<768x128xf32>, vector<128x1xf32>, vector<768x1xf32> -> vector<768x1xf32>
    %reshape3A_239 = vector.shape_cast %dot_general3A_238 : vector<768x1xf32> to vector<16x48x1xf32>
    %swap3A_240 = arith.constant 0 : index
    %swap3A_241 = arith.constant 0 : index
    %swap3A_242 = arith.constant 0 : index
    %swap3A_243 = vector.load %arg28[%swap3A_240, %swap3A_241, %swap3A_242] : memref<16x48x1xf32, #tpu.memory_space<vmem>>, vector<16x48x1xf32>
    tpu.vector_store %arg28[%swap3A_240, %swap3A_241, %swap3A_242], %reshape3A_239 {strides = array<i32>} : memref<16x48x1xf32, #tpu.memory_space<vmem>>, vector<16x48x1xf32>,
    %get3A_244 = arith.constant 0 : index
    %get3A_245 = arith.constant 0 : index
    %get3A_246 = vector.load %arg23[%get3A_244, %get3A_245] : memref<64x128xf32, #tpu.memory_space<vmem>>, vector<64x128xf32>
    %dot_general3A_247 = arith.constant dense<0.000000e+00> : vector<768x128xf32>
    %dot_general3A_248 = tpu.matmul %add3A_206, %get3A_246, %dot_general3A_247 {dimension_numbers = #tpu.dot_dimension_numbers<[1], [0], [0], [1], [0, 0, 1, 1], [], []>, transpose_lhs_hint = false} : vector<768x64xf32>, vector<64x128xf32>, vector<768x128xf32> -> vector<768x128xf32>
    %get3A_249 = arith.constant 0 : index
    %get3A_250 = arith.constant 0 : index
    %get3A_251 = vector.load %arg24[%get3A_249, %get3A_250] : memref<1x128xf32, #tpu.memory_space<vmem>>, vector<1x128xf32>
    %add3A_252 = vector.broadcast %get3A_251 : vector<1x128xf32> to vector<768x128xf32>
    %add3A_253 = arith.addf %dot_general3A_248, %add3A_252 : vector<768x128xf32>
    %max3A_254 = arith.constant 0.000000e+00 : f32
    %max3A_255 = vector.broadcast %max3A_254 : f32 to vector<768x128xf32>
    %max3A_256 = arith.maximumf %add3A_253, %max3A_255 : vector<768x128xf32>
    %get3A_257 = arith.constant 0 : index
    %get3A_258 = arith.constant 0 : index
    %get3A_259 = arith.constant 0 : index
    %get3A_260 = vector.load %arg25[%get3A_257, %get3A_258, %get3A_259] : memref<5x128x128xf32, #tpu.memory_space<vmem>>, vector<1x128x128xf32>
    %get3A_261 = vector.shape_cast %get3A_260 : vector<1x128x128xf32> to vector<128x128xf32>
    %dot_general3A_262 = arith.constant dense<0.000000e+00> : vector<768x128xf32>
    %dot_general3A_263 = tpu.matmul %max3A_256, %get3A_261, %dot_general3A_262 {dimension_numbers = #tpu.dot_dimension_numbers<[1], [0], [0], [1], [0, 0, 1, 1], [], []>, transpose_lhs_hint = false} : vector<768x128xf32>, vector<128x128xf32>, vector<768x128xf32> -> vector<768x128xf32>
    %reshape3A_264 = vector.shape_cast %dot_general3A_263 : vector<768x128xf32> to vector<16x48x128xf32>
    %get3A_265 = arith.constant 1 : index
    %get3A_266 = arith.constant 0 : index
    %get3A_267 = arith.constant 0 : index
    %get3A_268 = vector.load %arg25[%get3A_265, %get3A_266, %get3A_267] : memref<5x128x128xf32, #tpu.memory_space<vmem>>, vector<1x128x128xf32>
    %get3A_269 = vector.shape_cast %get3A_268 : vector<1x128x128xf32> to vector<128x128xf32>
    %dot_general3A_270 = arith.constant dense<0.000000e+00> : vector<768x128xf32>
    %dot_general3A_271 = tpu.matmul %max3A_256, %get3A_269, %dot_general3A_270 {dimension_numbers = #tpu.dot_dimension_numbers<[1], [0], [0], [1], [0, 0, 1, 1], [], []>, transpose_lhs_hint = false} : vector<768x128xf32>, vector<128x128xf32>, vector<768x128xf32> -> vector<768x128xf32>
    %reshape3A_272 = vector.shape_cast %dot_general3A_271 : vector<768x128xf32> to vector<16x48x128xf32>
    %get3A_273 = arith.constant 2 : index
    %get3A_274 = arith.constant 0 : index
    %get3A_275 = arith.constant 0 : index
    %get3A_276 = vector.load %arg25[%get3A_273, %get3A_274, %get3A_275] : memref<5x128x128xf32, #tpu.memory_space<vmem>>, vector<1x128x128xf32>
    %get3A_277 = vector.shape_cast %get3A_276 : vector<1x128x128xf32> to vector<128x128xf32>
    %dot_general3A_278 = arith.constant dense<0.000000e+00> : vector<768x128xf32>
    %dot_general3A_279 = tpu.matmul %max3A_256, %get3A_277, %dot_general3A_278 {dimension_numbers = #tpu.dot_dimension_numbers<[1], [0], [0], [1], [0, 0, 1, 1], [], []>, transpose_lhs_hint = false} : vector<768x128xf32>, vector<128x128xf32>, vector<768x128xf32> -> vector<768x128xf32>
    %reshape3A_280 = vector.shape_cast %dot_general3A_279 : vector<768x128xf32> to vector<16x48x128xf32>
    %get3A_281 = arith.constant 3 : index
    %get3A_282 = arith.constant 0 : index
    %get3A_283 = arith.constant 0 : index
    %get3A_284 = vector.load %arg25[%get3A_281, %get3A_282, %get3A_283] : memref<5x128x128xf32, #tpu.memory_space<vmem>>, vector<1x128x128xf32>
    %get3A_285 = vector.shape_cast %get3A_284 : vector<1x128x128xf32> to vector<128x128xf32>
    %dot_general3A_286 = arith.constant dense<0.000000e+00> : vector<768x128xf32>
    %dot_general3A_287 = tpu.matmul %max3A_256, %get3A_285, %dot_general3A_286 {dimension_numbers = #tpu.dot_dimension_numbers<[1], [0], [0], [1], [0, 0, 1, 1], [], []>, transpose_lhs_hint = false} : vector<768x128xf32>, vector<128x128xf32>, vector<768x128xf32> -> vector<768x128xf32>
    %reshape3A_288 = vector.shape_cast %dot_general3A_287 : vector<768x128xf32> to vector<16x48x128xf32>
    %get3A_289 = arith.constant 4 : index
    %get3A_290 = arith.constant 0 : index
    %get3A_291 = arith.constant 0 : index
    %get3A_292 = vector.load %arg25[%get3A_289, %get3A_290, %get3A_291] : memref<5x128x128xf32, #tpu.memory_space<vmem>>, vector<1x128x128xf32>
    %get3A_293 = vector.shape_cast %get3A_292 : vector<1x128x128xf32> to vector<128x128xf32>
    %dot_general3A_294 = arith.constant dense<0.000000e+00> : vector<768x128xf32>
    %dot_general3A_295 = tpu.matmul %max3A_256, %get3A_293, %dot_general3A_294 {dimension_numbers = #tpu.dot_dimension_numbers<[1], [0], [0], [1], [0, 0, 1, 1], [], []>, transpose_lhs_hint = false} : vector<768x128xf32>, vector<128x128xf32>, vector<768x128xf32> -> vector<768x128xf32>
    %reshape3A_296 = vector.shape_cast %dot_general3A_295 : vector<768x128xf32> to vector<16x48x128xf32>
    %concatenate3A_297 = tpu.concatenate %reshape3A_264, %reshape3A_272, %reshape3A_280, %reshape3A_288, %reshape3A_296 in 1 : vector<16x48x128xf32>, vector<16x48x128xf32>, vector<16x48x128xf32>, vector<16x48x128xf32>, vector<16x48x128xf32> -> vector<16x240x128xf32>
    %reshape3A_298 = vector.shape_cast %max3A_256 : vector<768x128xf32> to vector<16x48x128xf32>
    %dot_general3A_299 = arith.constant dense<0.000000e+00> : vector<16x48x240xf32>
    %dot_general3A_300 = tpu.matmul %reshape3A_298, %concatenate3A_297, %dot_general3A_299 {dimension_numbers = #tpu.dot_dimension_numbers<[2], [2], [1], [1], [0, 0, 0, 1, 1, 1], [0], [0]>, transpose_lhs_hint = false} : vector<16x48x128xf32>, vector<16x240x128xf32>, vector<16x48x240xf32> -> vector<16x48x240xf32>
    %reshape3A_301 = vector.shape_cast %dot_general3A_300 : vector<16x48x240xf32> to vector<768x240xf32>
    %get3A_302 = arith.constant 0 : index
    %get3A_303 = arith.constant 0 : index
    %get3A_304 = vector.load %arg4[%get3A_302, %get3A_303] : memref<240x240xf32, #tpu.memory_space<vmem>>, vector<240x240xf32>
    %dot_general3A_305 = arith.constant dense<0.000000e+00> : vector<768x240xf32>
    %dot_general3A_306 = tpu.matmul %reshape3A_301, %get3A_304, %dot_general3A_305 {dimension_numbers = #tpu.dot_dimension_numbers<[1], [0], [0], [1], [0, 0, 1, 1], [], []>, transpose_lhs_hint = false} : vector<768x240xf32>, vector<240x240xf32>, vector<768x240xf32> -> vector<768x240xf32>
    %reshape3A_307 = vector.shape_cast %dot_general3A_306 : vector<768x240xf32> to vector<16x48x240xf32>
    %swap3A_308 = arith.constant 0 : index
    %swap3A_309 = arith.constant 0 : index
    %swap3A_310 = arith.constant 0 : index
    %swap3A_311 = vector.load %arg27[%swap3A_308, %swap3A_309, %swap3A_310] : memref<16x48x240xf32, #tpu.memory_space<vmem>>, vector<16x48x240xf32>
    tpu.vector_store %arg27[%swap3A_308, %swap3A_309, %swap3A_310], %reshape3A_307 {strides = array<i32>} : memref<16x48x240xf32, #tpu.memory_space<vmem>>, vector<16x48x240xf32>,
    return
  }
  func.func @transform_0(%arg0: i32) -> (i32, i32, i32) {
    %c0_i32 = arith.constant 0 : i32
    %c0_i32_0 = arith.constant 0 : i32
    %c0_i32_1 = arith.constant 0 : i32
    return %arg0, %c0_i32, %c0_i32_0 : i32, i32, i32
  }
  func.func @transform_1(%arg0: i32) -> (i32, i32, i32) {
    %c0_i32 = arith.constant 0 : i32
    %c0_i32_0 = arith.constant 0 : i32
    %c0_i32_1 = arith.constant 0 : i32
    return %arg0, %c0_i32, %c0_i32_0 : i32, i32, i32
  }
  func.func @transform_2(%arg0: i32) -> (i32, i32) {
    %c0_i32 = arith.constant 0 : i32
    %c0_i32_0 = arith.constant 0 : i32
    %c0_i32_1 = arith.constant 0 : i32
    return %c0_i32, %c0_i32_0 : i32, i32
  }
  func.func @transform_3(%arg0: i32) -> (i32, i32) {
    %c0_i32 = arith.constant 0 : i32
    %c0_i32_0 = arith.constant 0 : i32
    %c0_i32_1 = arith.constant 0 : i32
    return %c0_i32, %c0_i32_0 : i32, i32
  }
  func.func @transform_4(%arg0: i32) -> (i32, i32, i32) {
    %c0_i32 = arith.constant 0 : i32
    %c0_i32_0 = arith.constant 0 : i32
    %c0_i32_1 = arith.constant 0 : i32
    %c0_i32_2 = arith.constant 0 : i32
    return %c0_i32, %c0_i32_0, %c0_i32_1 : i32, i32, i32
  }
  func.func @transform_5(%arg0: i32) -> (i32, i32) {
    %c0_i32 = arith.constant 0 : i32
    %c0_i32_0 = arith.constant 0 : i32
    %c0_i32_1 = arith.constant 0 : i32
    return %c0_i32, %c0_i32_0 : i32, i32
  }
  func.func @transform_6(%arg0: i32) -> (i32, i32) {
    %c0_i32 = arith.constant 0 : i32
    %c0_i32_0 = arith.constant 0 : i32
    %c0_i32_1 = arith.constant 0 : i32
    return %c0_i32, %c0_i32_0 : i32, i32
  }
  func.func @transform_7(%arg0: i32) -> (i32, i32, i32) {
    %c0_i32 = arith.constant 0 : i32
    %c0_i32_0 = arith.constant 0 : i32
    %c0_i32_1 = arith.constant 0 : i32
    %c0_i32_2 = arith.constant 0 : i32
    return %c0_i32, %c0_i32_0, %c0_i32_1 : i32, i32, i32
  }
  func.func @transform_8(%arg0: i32) -> (i32, i32) {
    %c0_i32 = arith.constant 0 : i32
    %c0_i32_0 = arith.constant 0 : i32
    %c0_i32_1 = arith.constant 0 : i32
    return %c0_i32, %c0_i32_0 : i32, i32
  }
  func.func @transform_9(%arg0: i32) -> (i32, i32) {
    %c0_i32 = arith.constant 0 : i32
    %c0_i32_0 = arith.constant 0 : i32
    %c0_i32_1 = arith.constant 0 : i32
    return %c0_i32, %c0_i32_0 : i32, i32
  }
  func.func @transform_10(%arg0: i32) -> (i32, i32, i32) {
    %c0_i32 = arith.constant 0 : i32
    %c0_i32_0 = arith.constant 0 : i32
    %c0_i32_1 = arith.constant 0 : i32
    %c0_i32_2 = arith.constant 0 : i32
    return %c0_i32, %c0_i32_0, %c0_i32_1 : i32, i32, i32
  }
  func.func @transform_11(%arg0: i32) -> (i32, i32) {
    %c0_i32 = arith.constant 0 : i32
    %c0_i32_0 = arith.constant 0 : i32
    %c0_i32_1 = arith.constant 0 : i32
    return %c0_i32, %c0_i32_0 : i32, i32
  }
  func.func @transform_12(%arg0: i32) -> (i32, i32) {
    %c0_i32 = arith.constant 0 : i32
    %c0_i32_0 = arith.constant 0 : i32
    %c0_i32_1 = arith.constant 0 : i32
    return %c0_i32, %c0_i32_0 : i32, i32
  }
  func.func @transform_13(%arg0: i32) -> (i32, i32) {
    %c0_i32 = arith.constant 0 : i32
    %c0_i32_0 = arith.constant 0 : i32
    %c0_i32_1 = arith.constant 0 : i32
    return %c0_i32, %c0_i32_0 : i32, i32
  }
  func.func @transform_14(%arg0: i32) -> (i32, i32) {
    %c0_i32 = arith.constant 0 : i32
    %c0_i32_0 = arith.constant 0 : i32
    %c0_i32_1 = arith.constant 0 : i32
    return %c0_i32, %c0_i32_0 : i32, i32
  }
  func.func @transform_15(%arg0: i32) -> (i32, i32) {
    %c0_i32 = arith.constant 0 : i32
    %c0_i32_0 = arith.constant 0 : i32
    %c0_i32_1 = arith.constant 0 : i32
    return %c0_i32, %c0_i32_0 : i32, i32
  }
  func.func @transform_16(%arg0: i32) -> (i32, i32) {
    %c0_i32 = arith.constant 0 : i32
    %c0_i32_0 = arith.constant 0 : i32
    %c0_i32_1 = arith.constant 0 : i32
    return %c0_i32, %c0_i32_0 : i32, i32
  }
  func.func @transform_17(%arg0: i32) -> (i32, i32) {
    %c0_i32 = arith.constant 0 : i32
    %c0_i32_0 = arith.constant 0 : i32
    %c0_i32_1 = arith.constant 0 : i32
    return %c0_i32, %c0_i32_0 : i32, i32
  }
  func.func @transform_18(%arg0: i32) -> (i32, i32) {
    %c0_i32 = arith.constant 0 : i32
    %c0_i32_0 = arith.constant 0 : i32
    %c0_i32_1 = arith.constant 0 : i32
    return %c0_i32, %c0_i32_0 : i32, i32
  }
  func.func @transform_19(%arg0: i32) -> (i32, i32) {
    %c0_i32 = arith.constant 0 : i32
    %c0_i32_0 = arith.constant 0 : i32
    %c0_i32_1 = arith.constant 0 : i32
    return %c0_i32, %c0_i32_0 : i32, i32
  }
  func.func @transform_20(%arg0: i32) -> (i32, i32) {
    %c0_i32 = arith.constant 0 : i32
    %c0_i32_0 = arith.constant 0 : i32
    %c0_i32_1 = arith.constant 0 : i32
    return %c0_i32, %c0_i32_0 : i32, i32
  }
  func.func @transform_21(%arg0: i32) -> (i32, i32) {
    %c0_i32 = arith.constant 0 : i32
    %c0_i32_0 = arith.constant 0 : i32
    %c0_i32_1 = arith.constant 0 : i32
    return %c0_i32, %c0_i32_0 : i32, i32
  }
  func.func @transform_22(%arg0: i32) -> (i32, i32) {
    %c0_i32 = arith.constant 0 : i32
    %c0_i32_0 = arith.constant 0 : i32
    %c0_i32_1 = arith.constant 0 : i32
    return %c0_i32, %c0_i32_0 : i32, i32
  }
  func.func @transform_23(%arg0: i32) -> (i32, i32) {
    %c0_i32 = arith.constant 0 : i32
    %c0_i32_0 = arith.constant 0 : i32
    %c0_i32_1 = arith.constant 0 : i32
    return %c0_i32, %c0_i32_0 : i32, i32
  }
  func.func @transform_24(%arg0: i32) -> (i32, i32, i32) {
    %c0_i32 = arith.constant 0 : i32
    %c0_i32_0 = arith.constant 0 : i32
    %c0_i32_1 = arith.constant 0 : i32
    %c0_i32_2 = arith.constant 0 : i32
    return %c0_i32, %c0_i32_0, %c0_i32_1 : i32, i32, i32
  }
  func.func @transform_25(%arg0: i32) -> (i32, i32, i32) {
    %c0_i32 = arith.constant 0 : i32
    %c0_i32_0 = arith.constant 0 : i32
    %c0_i32_1 = arith.constant 0 : i32
    return %arg0, %c0_i32, %c0_i32_0 : i32, i32, i32
  }
  func.func @transform_26(%arg0: i32) -> (i32, i32, i32) {
    %c0_i32 = arith.constant 0 : i32
    %c0_i32_0 = arith.constant 0 : i32
    %c0_i32_1 = arith.constant 0 : i32
    return %arg0, %c0_i32, %c0_i32_0 : i32, i32, i32
  }
  func.func @transform_27(%arg0: i32) -> (i32, i32, i32) {
    %c0_i32 = arith.constant 0 : i32
    %c0_i32_0 = arith.constant 0 : i32
    %c0_i32_1 = arith.constant 0 : i32
    return %arg0, %c0_i32, %c0_i32_0 : i32, i32, i32
  }
}

</mosaic_0001>

<sc_bundles>
// kernel: sparse-core-data-format-call.cloned.1.call-start
scs
called_computation_lowered:
.L_overlay_start_0:
0x0: {  	s2 =	sld [smem:$0x3FD9]  }
0x1: {  	s3 =	sld [smem:$0x3FFE];
	_ =	sdelay $0x1  }
0x2: {  	s1 =	srdreg.scid  }
0x3: {  	s0 =	sand.u32 $0x1, s1  }
0x4: {  	s15 =	sshll.u32 s0, $0xA;
	s2 =	sadd.s32 s3, s2  }
0x5: {  	s2 =	sadd.s32 s2, s15  }
0x6: {  	[smem:$0x3FB2] =	sst s2  }
0x7: {  	_ = 	snop  }
0x8: {  	s2 =	sld [smem:$0x3FD0];
	_ =	sdelay $0x2  }
0x9: {  	s16 =	simm.s32 $0xA;
	s4 =	simm.s32 $0x10  }
0xa: {  	[smem:s4], [sflag:s16] =	dma.local [hbm:s2], $0x1  }
0xb: {  	_ =	swait.eq [sflag:s16], $0x1  }
0xc: {  	[sflag:s16] =	ssyncset.done $0x0  }
0xd: {  	[sflag:s16] =	ssyncadd.s32 $0xFFFFFFFF  }
0xe: {  	s17 =	sld [smem:$0x11];
	(tm) =	ssettm $0x1  }
0xf: {  	s18 =	sld [smem:$0x3FFB];
	_ =	sdelay $0x3  }
0x10: {  	_ =	strace s18  }
0x11: {  	s3 =	sld [smem:$0x3FFC];
	_ =	sdelay $0x3  }
0x12: {  	_ =	strace s3  }
0x13: {  	s3 =	sld [smem:$0x3FFD];
	_ =	sdelay $0x3  }
0x14: {  	_ =	strace s3  }
0x15: {  	_ =	strace $0x8FFFFFFF  }
0x16: {  	s19 =	sld [smem:$0x3FDB];
	_ =	sdelay $0x1  }
0x17: {  	s20 =	simm.s32 $_scs_section_size  }
0x18: {  	s5 =	simm.s32 $_size__tile_overlayer_lowered;
	s6 =	simm.s32 $_tile_overlayer_lowered  }
0x19: {  	s23 =	simm.s32 $0x1BFF;
	s22 =	sshll.u32 s6, $0x1;
	s3 =	sadd.s32 s20, s19  }
0x1a: {  	s7 =	simm.s32 $0x0;
	s21 =	sshll.u32 s5, $0x1;
	s5 =	sadd.s32 s22, s3  }
0x1b: {  	[timem:s7], [sflag:s23] =	dma.local [hbm:s5], s21  }
0x1c: {  	_ =	swait.ge [sflag:s23], s21  }
0x1d: {  	s4 =	ssub.s32 $0x0, s21;
	[sflag:s23] =	ssyncset.done $0x0  }
0x1e: {  	[sflag:s23] =	ssyncadd.s32 s4;
	_ =	sdelay $0x1  }
0x1f: {  	s24 =	simm.s32 $0x1B8B  }
0x20: {  	_ =	swait.ge [sflag:s24], $0x1  }
0x21: {  	[sflag:s24] =	ssyncset.done $0x0  }
0x22: {  	s26 =	simm.s32 $0x1B8E;
	s25 =	sld [smem:$0x3FFE];
	[sflag:s24] =	ssyncadd.s32 $0xFFFFFFFF  }
0x23: {  	s27 =	simm.s32 $execute0_lowered;
	[smem:$0x3FD2] =	sst s26  }
0x24: {  	s5 =	sshll.u32 s27, $0x1;
	_ =	strace $0x80000046;
	[dreg:$0x1] =	wrdreg $0xFFFFFFFF  }
0x25: {  	s28 =	simm.s32 $_size_execute0_lowered;
	s3 =	sadd.s32 s3, s5;
	[dreg:$0x0] =	wrdreg $0x0  }
0x26: {  	s5 =	sshll.u32 s28, $0x1;
	[dreg:$0x2] =	wrdreg s3  }
0x27: {  	[dreg:$0x3] =	wrdreg s5  }
0x28: {  	[dreg:$0x4] =	wrdreg $0xC0  }
0x29: {  	_ =	task [dreg:s7], $0x5FFFF  }
0x2a: {  	[dreg:$0x1] =	wrdreg $0xFFFFFFFF  }
0x2b: {  	[dreg:$0x0] =	wrdreg $0x60  }
0x2c: {  	[dreg:$0x2] =	wrdreg s25  }
0x2d: {  	[dreg:$0x3] =	wrdreg s17  }
0x2e: {  	[dreg:$0x4] =	wrdreg $0x9  }
0x2f: {  	_ =	task.clear_ibuf [dreg:s7], $0x5FFFF;
	_ =	strace $0x90000046  }
0x30: {  	s29 =	simm.s32 $0x9;
	_ =	strace $0x80000048  }
0x31: {  	_ =	swait.ge [sflag:s29], $0x1  }
0x32: {  	[sflag:s29] =	ssyncadd.s32 $0xFFFFFFFF  }
0x33: {  	_ =	strace $0x90000048  }
0x34: {  	_ =	sfence  }
0x35: {  	s30 =	sld [smem:$0x0];
	_ =	sdelay $0x2  }
0x36: {  	s31 =	sshll.u32 s1, $0xD;
	s1 =	sshrl.u32 s1, $0x2  }
0x37: {  	s3 =	sand.u32 $0x4000, s31;
	s1 =	sadd.s32 s1, s30  }
0x38: {  	s0 =	sor.u32 s3, s0;
	s1 =	sshll.u32 s1, $0x11  }
0x39: {  	s0 =	sor.u32 s1, s0  }
0x3a: {  	s0 =	sadd.s32 $0x8F2B, s0  }
0x3b: {  	[sflag:s0] =	ssyncadd.remote.s32 $0x1  }
0x3c: {  	_ =	sfence.sel $0xFFFF  }
0x3d: {  	[dreg:$0x0] =	wrdreg $0xFFFFFFFF;
	(pc) =	sbr.abs _section_cstart, $3  }
0x3e: {  	[dreg:$0x1] =	wrdreg $0xFFFFFFFF  }
0x3f: {  	_ =	task.clear_ibuf [dreg:s7], $0x2FFFF;
	_ =	strace $0x9FFFFFFF  }
0x40: {  	(tm) =	ssettm $0x7FFFFFFF  }
0x41: {  	_ =	shalt  }
tec
execute0_lowered:
.L_overlay_start_1:
0x0: {  	(tag) =	ssettag $0x1  }
0x1: {  	s3 =	stileid.u32  }
0x2: {  	s0 =	srdreg.scid;
	s30 =	rddreg [dreg:$0x0]  }
0x3: {  	_ =	strace $0x80000047;
	s6 =	simm.s32 $0x0;
	s31 =	simm.s32 $0x2  }
0x4: {  	s20 =	simm.s32 $0x0;
	s10 =	simm.s32 $0x800;
	s11 =	simm.s32 $0x3C000  }
0x5: {  	s12 =	simm.s32 $0x0;
	s17 =	simm.s32 $0x0;
	s1 =	sshll.u32 s3, $0x3  }
0x6: {  	s29 =	sshll.u32 s3, $0x5;
	s0 =	sshll.u32 s0, $0x9;
	s2 =	sand.u32 $0x38, s1  }
0x7: {  	s18 =	simm.s32 $0x0;
	s0 =	sor.u32 s29, s0;
	s1 =	ssub.s32 $0x30, s2  }
0x8: {  	s19 =	simm.s32 $0x0;
	s4 =	sand.u32 $0x300, s0;
	p0 =	sgt.s32 s1, $0x0  }
0x9: {  	s13 =	simm.s32 $0x0;
	s0 =	ssub.s32 $0x400, s4;
	s1 =	simm.s32 @!p0 $0x0  }
0xa: {  	s14 =	simm.s32 $0x0;
	s5 =	sand.u32 $0x300, s0;
	s1 =	sand.u32 $0x38, s1  }
0xb: {  	p1 =	sne.s32 s5, $0x0;
	p0 =	seq.s32 s1, $0x0;
	s1 =	simm.s32 $0x1  }
.Ltmp0:
0xc: {  	s0 =	sshrl.u32 s0, $0xA;
	s1 =	simm.s32 @!p1 $0x0;
	(pc) =	sbr.rel .LBB1_1-.Ltmp0, $4  }
0xd: {  	s16 =	simm.s32 $0x0;
	s6 =	simm.s32 @!p0 $0x1E;
	s0 =	sadd.s32 s1, s0  }
0xe: {  	s26 =	simm.s32 $0x0;
	s5 =	simm.s32 $0x1;
	s6 =	smul.u32 s6, s0  }
0xf: {  	s7 =	sadd.s32 $0x3E00, s30;
	s15 =	smov.u32 s2;
	[sflag:s5] =	ssyncpa.u1 $0x0  }
0x10: {  	s8 =	sshll.u32 s4, $0x3;
	[sflag:s31] =	ssyncpa.u1 $0x0;
	s9 =	sor.u32 $0x1, s6  }
.LBB1_7:
0x11: {  	s0 =	sadd.s32 $0x8, s13  }
0x12: {  	s1 =	simm.s32 $0x1;
	p1 =	sgt.s32 s0, $0x2F  }
0x13: {  	s1 =	simm.s32 @!p1 $0x0  }
0x14: {  	s1 =	sadd.s32 s1, s14  }
0x15: {  	s17 =	sadd.s32 $0x40, s15;
	s21 =	smov.u32 s15;
	p2 =	sgt.s32 s1, $0x4  }
0x16: {  	s21 =	smov.u32 @p2 s17  }
0x17: {  	p0 =	slt.u32 s16, $0x2;
	s0 =	simm.s32 @p1 $0x0;
	p1 =	sgt.s32 s21, $0x2F  }
0x18: {  	s3 =	simm.s32 @!p0 $0x2;
	s21 =	smov.u32 @p1 s2;
	p1 =	sne.s32 s16, s9  }
.Ltmp1:
0x19: {  	_ =	swait.ge @!p0 [sflag:s3], $0x4000;
	(pc) =	sbr.rel @!p1 .LBB1_8-.Ltmp1, $4  }
0x1a: {  	s18 =	smov.u32 s14;
	s19 =	smov.u32 s15;
	[sflag:s3] =	ssyncset.done @!p0 $0x0  }
0x1b: {  	s12 =	sadd.s32 $0x4000, s12;
	s20 =	smov.u32 s4;
	[sflag:s3] =	ssyncadd.s32 @!p0 $0xFFFFC000  }
0x1c: {  	s1 =	simm.s32 @p2 $0x0;
	s17 =	smov.u32 s13;
	s13 =	smov.u32 s0  }
0x1d: {  	s14 =	smov.u32 s1;
	s16 =	sadd.s32 $0x1, s16;
	s15 =	smov.u32 s21  }
.LBB1_1:
0x1e: {  	p0 =	sge.u32 s16, s6  }
0x1f: {  	s0 =	sshll.u32 @!p0 s13, $0xA  }
0x20: {  	s0 =	sand.u32 @!p0 $0xFFFFE000, s0  }
0x21: {  	s0 =	sor.u32 @!p0 s8, s0  }
0x22: {  	s0 =	sshrl.u32 @!p0 s0, $0xA  }
0x23: {  	s1 =	smulhi.u32 @!p0 $0x5555556, s0  }
0x24: {  	s3 =	smul.u32 @!p0 $0x7800, s15  }
0x25: {  	s1 =	smul.u32 @!p0 $0x30, s1  }
0x26: {  	s31 =	sadd.s32 $0xFFFFFFFF, s16;
	s21 =	sxor.u32 @!p0 $0xFFFFFFFF, s16;
	s22 =	smul.u32 @!p0 $0x1800, s14  }
0x27: {  	s3 =	sadd.s32 @!p0 s7, s3;
	s0 =	ssub.s32 @!p0 s0, s1;
	s1 =	sshll.u32 @!p0 s13, $0x4  }
0x28: {  	s21 =	sshll.u32 @!p0 s21, $0xE;
	s3 =	sadd.s32 @!p0 s22, s3;
	s1 =	sand.u32 @!p0 $0x70, s1  }
0x29: {  	s21 =	sand.u32 @!p0 $0x4000, s21;
	s0 =	sshll.u32 @!p0 s0, $0x7;
	s1 =	sadd.s32 @!p0 s1, s3  }
0x2a: {  	s3 =	simm.s32 @!p0 $0x3C000;
	s0 =	sadd.s32 @!p0 s0, s1;
	s1 =	simm.s32 @!p0 $0x800  }
0x2b: {  	[tilespmem:s21], [sflag:$0x1] =	stream.strided.gather @!p0 [hbm4b:s0+s1], $0x4000, s3, s1, $0x38;
	[tilespmem:$0x10000] =	vst v63  }
0x2c: {  	p0 =	sge.u32 s31, s6  }
.Ltmp2:
0x2d: {  	_ = 	snop;
	(pc) =	sbr.rel @p0 .LBB1_7-.Ltmp2, $1  }
0x2e: {  	_ =	sdelay $0x3  }
0x2f: {  	s0 =	sshll.u32 s12, $0x2;
	_ =	swait.ge [sflag:s5], $0x4000;
	s1 =	sshll.u32 s16, $0xE  }
0x30: {  	p0 =	por $0x0, $0x0;
	s27 =	simm.s32 $0x0;
	s28 =	simm.s32 $0x0  }
0x31: {  	s0 =	sand.u32 $0x10000, s0;
	[sflag:s5] =	ssyncset.done $0x0;
	s24 =	sand.u32 $0x4000, s1  }
0x32: {  	s0 =	sshrl.u32 s0, $0x2;
	[sflag:s5] =	ssyncadd.s32 $0xFFFFC000;
	s21 =	sor.u32 $0x8000, s24  }
0x33: {  	s22 =	sor.u32 $0x40, s0;
	s23 =	sor.u32 $0x8410, s0;
	s25 =	sadd.s32 $0x8400, s0  }
.LBB1_3:
0x34: {  	v1 =	vld [tilespmem:s22+$0xFFFFFFD0]  }
0x35: {  	v2 =	vld [tilespmem:s22+$0x430]  }
0x36: {  	s0 =	sshll.u32 s28, $0xB;
	v4 =	vld [tilespmem:s22+$0xFFFFFFE0]  }
0x37: {  	v7 =	vld [tilespmem:s22+$0xFFFFFFF0];
	v0 =	vmov s0  }
0x38: {  	v8 =	vld [tilespmem:s22+$0x0]  }
0x39: {  	s3 =	sand.u32 $0x300, s26;
	v9 =	vld [tilespmem:s22+$0x10]  }
0x3a: {  	s1 =	sand.u32 $0x80, s26;
	v10 =	vld [tilespmem:s22+$0x20];
	s0 =	sadd.s32 s3, s24  }
0x3b: {  	v11 =	vld [tilespmem:s22+$0x30];
	s0 =	sadd.s32 s1, s0;
	s1 =	simm.s32 $0x1;
	[tilespmem:s23+$0x60] =	vst v2  }
0x3c: {  	s3 =	sshll.u32 s27, $0x2;
	s1 =	simm.s32 @!p0 $0x0;
	[tilespmem:s23+$0xFFFFFC00] =	vst v1;
	v3 =	vld.idx.msk [tilespmem:v0+s0+$0x400 ss:$0x1], $0xffff  }
0x3d: {  	v6 =	vld [tilespmem:s22+$0x3D0];
	s1 =	sshll.u32 s1, $0x9;
	[tilespmem:s23+$0xFFFFFC10] =	vst v4;
	s0 =	sand.u32 $0xFFFFFC00, s3  }
0x3e: {  	v5 =	vld [tilespmem:s22+$0x3E0];
	[tilespmem:s23+$0xFFFFFC20] =	vst v7;
	s0 =	sor.u32 s1, s0  }
0x3f: {  	[tilespmem:s23+$0xFFFFFC30] =	vst v8;
	v4 =	vld [tilespmem:s22+$0x400];
	s0 =	sshrl.u32 s0, $0x2  }
0x40: {  	[tilespmem:s23+$0xFFFFFC40] =	vst v9;
	v1 =	vld [tilespmem:s22+$0x410];
	s29 =	sadd.s32 s0, s25  }
0x41: {  	[tilespmem:s29+$0x0] =	vst v3;
	v3 =	vld [tilespmem:s22+$0x3F0]  }
0x42: {  	s30 =	sadd.s32 $0x80, s22;
	[tilespmem:s23+$0xFFFFFC50] =	vst v10;
	v2 =	vld [tilespmem:s22+$0x420];
	s0 =	simm.s32 $0x80  }
0x43: {  	s31 =	smov.u32 s23;
	v7 =	vld [tilespmem:s22+$0xFFFFFFC0];
	[tilespmem:s23+$0xFFFFFC60] =	vst v11;
	s1 =	simm.s32 $0x100;
	s3 =	sand.u32 $0x300, s0  }
.LBB1_4:
0x44: {  	p1 =	sne.s32 s1, $0x380;
	v8 =	vld [tilespmem:s30+$0xFFFFFFD0];
	s0 =	sand.u32 $0x80, s0;
	s3 =	sadd.s32 s3, s24;
	[tilespmem:s31+$0x0] =	vst v6  }
0x45: {  	s3 =	sadd.s32 s0, s3;
	v6 =	vld [tilespmem:s30+$0x430];
	[tilespmem:s31+$0x10] =	vst v5;
	s0 =	smov.u32 s1  }
0x46: {  	v5 =	vld.idx.msk [tilespmem:v0+s3+$0x400 ss:$0x1], $0xffff;
	[tilespmem:s31+$0x20] =	vst v3  }
0x47: {  	v3 =	vld [tilespmem:s30+$0xFFFFFFE0];
	[tilespmem:s31+$0x30] =	vst v4  }
0x48: {  	v4 =	vld [tilespmem:s30+$0xFFFFFFF0];
	[tilespmem:s31+$0xFFFFFBF0] =	vst v7  }
0x49: {  	v7 =	vld [tilespmem:s30+$0x0];
	[tilespmem:s31+$0x40] =	vst v1  }
0x4a: {  	v1 =	vld [tilespmem:s30+$0x10];
	[tilespmem:s31+$0x50] =	vst v2;
	s31 =	sadd.s32 $0x800, s31  }
0x4b: {  	s29 =	sadd.s32 $0x800, s29;
	v2 =	vld [tilespmem:s30+$0x20];
	[tilespmem:s31+$0x60] =	vst v6  }
0x4c: {  	v9 =	vld [tilespmem:s30+$0x30];
	[tilespmem:s29+$0x0] =	vst v5  }
0x4d: {  	[tilespmem:s31+$0xFFFFFC00] =	vst v8;
	v6 =	vld [tilespmem:s30+$0x3D0]  }
0x4e: {  	[tilespmem:s31+$0xFFFFFC10] =	vst v3;
	v5 =	vld [tilespmem:s30+$0x3E0]  }
.Ltmp3:
0x4f: {  	[tilespmem:s31+$0xFFFFFC20] =	vst v4;
	v3 =	vld [tilespmem:s30+$0x3F0];
	(pc) =	sbr.rel @p1 .LBB1_4-.Ltmp3, $4  }
0x50: {  	[tilespmem:s31+$0xFFFFFC30] =	vst v7;
	v4 =	vld [tilespmem:s30+$0x400]  }
0x51: {  	[tilespmem:s31+$0xFFFFFC40] =	vst v1;
	v1 =	vld [tilespmem:s30+$0x410]  }
0x52: {  	[tilespmem:s31+$0xFFFFFC50] =	vst v2;
	v2 =	vld [tilespmem:s30+$0x420]  }
0x53: {  	s1 =	sadd.s32 $0x80, s1;
	s3 =	sand.u32 $0x300, s0;
	v7 =	vld [tilespmem:s30+$0xFFFFFFC0];
	[tilespmem:s31+$0xFFFFFC60] =	vst v9;
	s30 =	sadd.s32 $0x80, s30  }
0x54: {  	[tilespmem:s31+$0x0] =	vst v6  }
0x55: {  	[tilespmem:s31+$0x10] =	vst v5  }
0x56: {  	v49 =	vld [tilespmem:s30+$0x430];
	[tilespmem:s31+$0x20] =	vst v3  }
0x57: {  	v50 =	vld [tilespmem:s30+$0xFFFFFFD0];
	[tilespmem:s31+$0x30] =	vst v4  }
0x58: {  	v51 =	vld [tilespmem:s30+$0xFFFFFFE0];
	[tilespmem:s31+$0x40] =	vst v1  }
0x59: {  	v52 =	vld [tilespmem:s30+$0xFFFFFFF0];
	[tilespmem:s31+$0x50] =	vst v2  }
0x5a: {  	s1 =	sadd.s32 s3, s24;
	s3 =	sadd.s32 $0x800, s31;
	v53 =	vld [tilespmem:s30+$0x0];
	[tilespmem:s31+$0xFFFFFBF0] =	vst v7  }
0x5b: {  	v54 =	vld [tilespmem:s30+$0x10];
	[tilespmem:s3+$0x60] =	vst v49  }
0x5c: {  	v55 =	vld [tilespmem:s30+$0x20];
	[tilespmem:s3+$0xFFFFFC00] =	vst v50  }
0x5d: {  	v56 =	vld [tilespmem:s30+$0x30];
	[tilespmem:s3+$0xFFFFFC10] =	vst v51  }
0x5e: {  	v57 =	vld [tilespmem:s30+$0x3D0];
	[tilespmem:s3+$0xFFFFFC20] =	vst v52  }
0x5f: {  	v58 =	vld [tilespmem:s30+$0x3E0];
	[tilespmem:s3+$0xFFFFFC30] =	vst v53  }
0x60: {  	v59 =	vld [tilespmem:s30+$0x3F0];
	[tilespmem:s3+$0xFFFFFC40] =	vst v54  }
0x61: {  	v60 =	vld [tilespmem:s30+$0x400];
	[tilespmem:s3+$0xFFFFFC50] =	vst v55  }
0x62: {  	v61 =	vld [tilespmem:s30+$0xFFFFFFC0];
	[tilespmem:s3+$0xFFFFFC60] =	vst v56  }
0x63: {  	s0 =	sand.u32 $0x80, s0;
	v62 =	vld [tilespmem:s30+$0x410];
	[tilespmem:s3+$0x0] =	vst v57  }
0x64: {  	v63 =	vld [tilespmem:s30+$0x420];
	s28 =	sadd.s32 $0x1, s28;
	s0 =	sadd.s32 s0, s1;
	[tilespmem:s3+$0x10] =	vst v58  }
0x65: {  	p1 =	sne.s32 s28, $0x8;
	v0 =	vld.idx.msk [tilespmem:v0+s0+$0x400 ss:$0x1], $0xffff;
	[tilespmem:s3+$0x20] =	vst v59  }
.Ltmp4:
0x66: {  	[tilespmem:s3+$0x30] =	vst v60;
	(pc) =	sbr.rel @p1 .LBB1_3-.Ltmp4, $4  }
0x67: {  	[tilespmem:s3+$0xFFFFFBF0] =	vst v61  }
0x68: {  	[tilespmem:s3+$0x40] =	vst v62  }
0x69: {  	s22 =	sadd.s32 $0x800, s22;
	s31 =	sadd.s32 $0x800, s29;
	[tilespmem:s3+$0x50] =	vst v63  }
0x6a: {  	s27 =	sadd.s32 $0x80, s27;
	p0 =	por !p0, !p0;
	s23 =	sadd.s32 $0x80, s23;
	[tilespmem:s31+$0x0] =	vst v0  }
0x6b: {  	s0 =	sshll.u32 s19, $0xA  }
0x6c: {  	s1 =	sshll.u32 s20, $0x3;
	s0 =	sand.u32 $0xFFFFE000, s0  }
0x6d: {  	s0 =	sor.u32 s0, s1  }
0x6e: {  	s3 =	smul.u32 $0x1800, s18;
	s0 =	sshrl.u32 s0, $0xA  }
0x6f: {  	s28 =	smulhi.u32 $0x5555556, s0  }
0x70: {  	s17 =	smul.u32 $0x7800, s17  }
0x71: {  	s29 =	sshll.u32 s19, $0x4;
	s30 =	rddreg [dreg:$0x1];
	s1 =	smul.u32 $0x30, s28  }
.Ltmp5:
0x72: {  	s18 =	sand.u32 $0x70, s29;
	s3 =	sadd.s32 s30, s3;
	(pc) =	sbr.rel .LBB1_7-.Ltmp5, $4  }
0x73: {  	s31 =	sadd.s32 s18, s3;
	s0 =	ssub.s32 s0, s1  }
0x74: {  	s1 =	sadd.s32 s17, s31;
	s0 =	sshll.u32 s0, $0x7  }
0x75: {  	s0 =	sadd.s32 s0, s1  }
0x76: {  	[hbm4b:s0+s10] =	stream.strided.scatter [tilespmem:s21], [sflag:$0x2], $0x4000, s11, s10, $0x38;
	[tilespmem:$0x10000] =	vst v63  }
.LBB1_8:
0x77: {  	_ =	sfence.sel $0x180000  }
0x78: {  	s0 =	simm.s32 $0x1;
	[bflag:$0x0] =	sbarrier.arrive $0xFFFF  }
0x79: {  	s30 =	simm.s32 $0x2;
	[sflag:s0] =	ssyncpa.u1 $0x1  }
0x7a: {  	[sflag:s30] =	ssyncpa.u1 $0x1  }
0x7b: {  	_ =	strace $0x90000047  }
0x7c: {  	s31 =	stileid.u32;
	[bflag:$0x2] =	sbarrier.arrive $0xFFFF  }
0x7d: {  	p0 =	sne.s32 s31, $0x0;
	s0 =	rddreg [dreg:$0x2]  }
0x7e: {  	s0 =	sadd.s32 @!p0 $0x100000, s0  }
0x7f: {  	[sflag:s0] =	ssyncadd.tile.s32 @!p0 $0x1;
	_ =	shalt  }
.Lfunc_end1:
_tile_overlayer_lowered:
.L_overlay_start_2:
0x80: {  	(tag) =	ssettag $0x2  }
0x81: {  	s0 =	rddreg [dreg:$0x0];
	s2 =	stileid.u32  }
0x82: {  	s1 =	rddreg [dreg:$0x1];
	p0 =	sne.s32 s2, $0x0  }
0x83: {  	s3 =	rddreg [dreg:$0x2];
	[bflag:$0x3] =	sbarrier.arrive $0xFFFF;
	s2 =	simm.s32 @!p0 $0x1C01  }
0x84: {  	[timem:s3], [sflag:s2] =	dma.local @!p0 [hbm:s0], s1  }
0x85: {  	s0 =	simm.s32 @!p0 $0x1  }
0x86: {  	_ =	swait.ge @!p0 [sflag:s0], s1  }
0x87: {  	s1 =	ssub.s32 @!p0 $0x0, s1;
	[sflag:s0] =	ssyncset.done @!p0 $0x0  }
0x88: {  	[sflag:s0] =	ssyncadd.s32 @!p0 s1  }
0x89: {  	[bflag:$0x3] =	sbarrier.arrive $0xFFFF  }
0x8a: {  	_ =	shalt  }

</sc_bundles>
